<compile_context>
chip_gen: v7x
topology: tpu7x:2x2x1
jax: 0.10.2.dev20260603
libtpu: 0.0.44.dev20260713+nightly
codegen_flags: <defaults>
</compile_context>

<pallas_src>
import functools

import jax
import jax.numpy as jnp
from jax import lax
from jax.experimental import pallas as pl
from jax.experimental.pallas import tpu as pltpu
from jax.experimental.pallas import tpu_sc as plsc

B, T, V, H = 1024, 50, 1000, 1024
L = 16
VP = 1024


def _make_counts_kernel():
    info = plsc.get_sparse_core_info()
    nc, ns = info.num_cores, info.num_subcores
    nw = nc * ns
    bpw = B // nw

    mesh = plsc.VectorSubcoreMesh(core_axis_name="c", subcore_axis_name="s")

    @functools.partial(
        pl.kernel,
        mesh=mesh,
        compiler_params=pltpu.CompilerParams(
            needs_layout_passes=False,
            use_tc_tiling_on_sc=False,
        ),
        out_type=jax.ShapeDtypeStruct((nw, bpw * VP), jnp.float32),
        scratch_types=[
            pltpu.VMEM((bpw * T,), jnp.int32),
            pltpu.VMEM((bpw * VP,), jnp.float32),
            pltpu.SemaphoreType.DMA,
            pltpu.SemaphoreType.DMA,
        ],
    )
    def k(idx_hbm, cnt_hbm, idx_v, cnt_v, sem, sem_in):
        wid = lax.axis_index("s") * nc + lax.axis_index("c")
        idx_cp = pltpu.async_copy(idx_hbm.at[pl.ds(wid * (bpw * T), bpw * T)],
                                  idx_v, sem_in)

        zeros = jnp.zeros((L,), jnp.float32)

        def zloop(i, _):
            for u in range(16):
                cnt_v[pl.ds((i * 16 + u) * L, L)] = zeros
            return 0

        lax.fori_loop(0, bpw * VP // (16 * L), zloop, 0)
        idx_cp.wait()

        ones = jnp.ones((L,), jnp.float32)
        lane = lax.iota(jnp.int32, L)
        nfull = T // L
        tail_mask = lane >= (nfull + 1) * L - T

        def sloop(r, _):
            rbase = r * VP
            for g in range(nfull):
                addr = idx_v[pl.ds(r * T + g * L, L)] + rbase
                plsc.addupdate_scatter(cnt_v, [addr], ones)
            if T % L:
                addr = idx_v[pl.ds(r * T + T - L, L)] + rbase
                plsc.addupdate_scatter(cnt_v, [addr], ones, mask=tail_mask)
            return 0

        nq = 4
        qrows = bpw // nq
        qw = qrows * VP
        for q in range(nq):
            lax.fori_loop(q * qrows, (q + 1) * qrows, sloop, 0)
            pltpu.async_copy(cnt_v.at[pl.ds(q * qw, qw)],
                             cnt_hbm.at[wid, pl.ds(q * qw, qw)], sem)
        for q in range(nq):
            pltpu.make_async_copy(cnt_v.at[pl.ds(q * qw, qw)],
                                  cnt_hbm.at[wid, pl.ds(q * qw, qw)],
                                  sem).wait()

    return k


_counts_kernel = _make_counts_kernel()


def _mm_body(a_ref, b_ref, o_ref):
    a = a_ref[...].reshape(_BM, VP)
    o_ref[...] = jnp.dot(a[:, :V].astype(jnp.bfloat16), b_ref[...],
                         preferred_element_type=jnp.float32)


_BM = 512
_matmul = pl.pallas_call(
    _mm_body,
    grid=(B // _BM,),
    in_specs=[
        pl.BlockSpec((_BM // 8, 8, VP // 128, 128), lambda i: (i, 0, 0, 0)),
        pl.BlockSpec((V, H), lambda i: (0, 0)),
    ],
    out_specs=pl.BlockSpec((_BM, H), lambda i: (i, 0)),
    out_shape=jax.ShapeDtypeStruct((B, H), jnp.float32),
)


def kernel(indices, codebook):
    counts = _counts_kernel(indices.astype(jnp.int32).reshape(B * T))
    counts4 = counts.reshape(B // 8, 8, VP // 128, 128)
    return _matmul(counts4, codebook.astype(jnp.bfloat16))

# --- scband reference (transcript-rebuilt; emitter-appended) ---
"""Pipeline reference for scband-style-embedder-51840255263120 (READ-ONLY COPY).

The authoritative reference and input builder live on the scoring server;
editing this copy changes nothing except your own understanding.
"""

import jax, jax.numpy as jnp
import numpy as np


def setup_inputs(seed: int = 0) -> dict:
    key = jax.random.key(seed)
    k1, k2 = jax.random.split(key)
    batch_size = 1024
    num_tokens = 50
    codebook_size = 1000
    hidden_size = 1024
    # The torch module draws random indices inside forward; we materialize them
    # in setup so the computation is deterministic and comparable.
    indices = jax.random.randint(k1, (batch_size, num_tokens), 0, codebook_size, dtype=jnp.int64)
    codebook = jax.random.normal(k2, (codebook_size, hidden_size), dtype=jnp.float32)
    return {"indices": indices, "codebook": codebook}


def reference(indices, codebook):
    # embeddings = self.codebook(indices)  -> gather rows from the codebook table
    embeddings = jnp.take(codebook, indices, axis=0)  # [B, T, H]
    # style = embeddings.sum(dim=1)
    style = embeddings.sum(axis=1)  # [B, H]
    return style

if __name__ == "__main__":
    import jax
    _d = setup_inputs()
    print(jax.jit(kernel)(*tuple(_d.values())))

</pallas_src>

<mosaic_0001>
#map = affine_map<(d0, d1) -> (0)>
#map1 = affine_map<(d0, d1) -> (0, 0)>
module attributes {stable_mosaic.version = 14 : i64} {
  func.func @k(%arg0: i32, %arg1: i32, %arg2: memref<51200xi32, #tpu.memory_space<hbm>>, %arg3: memref<32x32768xf32, #tpu.memory_space<hbm>>, %arg4: memref<1600xi32, #tpu.memory_space<vmem>>, %arg5: memref<32768xf32, #tpu.memory_space<vmem>>, %arg6: memref<!tpu.dma_semaphore, #tpu.memory_space<semaphore_mem>>, %arg7: memref<!tpu.dma_semaphore, #tpu.memory_space<semaphore_mem>>) attributes {dimension_semantics = [#tpu.dimension_semantics<core_parallel>, #tpu.dimension_semantics<subcore_parallel>], iteration_bounds = array<i64: 2, 16>, scalar_prefetch = 0 : i64, scratch_operands = 4 : i64, tpu.core_type = #tpu.core_type<sc_vector_subcore>, window_params = [{transform_indices = #map}, {transform_indices = #map1}]} {
    %mul3A = arith.constant 2 : i32
    %mul3A_0 = arith.muli %arg1, %mul3A : i32
    %add3A = arith.addi %mul3A_0, %arg0 : i32
    %mul3A_1 = arith.constant 1600 : i32
    %mul3A_2 = arith.muli %add3A, %mul3A_1 : i32
    %dma_start3A = tpu.memref_slice %arg2[%mul3A_2] : memref<51200xi32, #tpu.memory_space<hbm>> -> memref<1600xi32, #tpu.memory_space<hbm>>
    %dma_start3A_3 = tpu.memref_slice %arg2[%mul3A_2] : memref<51200xi32, #tpu.memory_space<hbm>> -> memref<1600xi32, #tpu.memory_space<hbm>>
    tpu.enqueue_dma source(%dma_start3A_3 : memref<1600xi32, #tpu.memory_space<hbm>>) target(%arg4 : memref<1600xi32, #tpu.memory_space<vmem>>) target_semaphore(%arg7 : memref<!tpu.dma_semaphore, #tpu.memory_space<semaphore_mem>>)
    %broadcast_in_dim3A = arith.constant 0.000000e+00 : f32
    %broadcast_in_dim3A_4 = vector.broadcast %broadcast_in_dim3A : f32 to vector<16xf32>
    %scan3A = arith.constant 0 : i32
    %scan3A_5 = arith.constant 0 : i32
    %scan3A_6 = arith.constant 128 : i32
    %scan3A_7 = arith.addi %scan3A_5, %scan3A_6 : i32
    %scan3A_8 = arith.constant 1 : i32
    %scan3A_9 = scf.for %scan3A_124 = %scan3A_5 to %scan3A_7 step %scan3A_8 iter_args(%scan3A_125 = %scan3A) -> (i32)  : i32 {
      %mul3A_126 = arith.constant 16 : i32
      %mul3A_127 = arith.muli %scan3A_124, %mul3A_126 : i32
      %add3A_128 = arith.constant 0 : i32
      %add3A_129 = arith.addi %mul3A_127, %add3A_128 : i32
      %mul3A_130 = arith.constant 16 : i32
      %mul3A_131 = arith.muli %add3A_129, %mul3A_130 : i32
      %swap3A = arith.index_cast %mul3A_131 : i32 to index
      %swap3A_132 = tpu.vector_load %arg5[%swap3A] {strides = array<i32>} : memref<32768xf32, #tpu.memory_space<vmem>>, vector<16xf32>,
      tpu.vector_store %arg5[%swap3A], %broadcast_in_dim3A_4 {strides = array<i32>} : memref<32768xf32, #tpu.memory_space<vmem>>, vector<16xf32>,
      %mul3A_133 = arith.constant 16 : i32
      %mul3A_134 = arith.muli %scan3A_124, %mul3A_133 : i32
      %add3A_135 = arith.constant 1 : i32
      %add3A_136 = arith.addi %mul3A_134, %add3A_135 : i32
      %mul3A_137 = arith.constant 16 : i32
      %mul3A_138 = arith.muli %add3A_136, %mul3A_137 : i32
      %swap3A_139 = arith.index_cast %mul3A_138 : i32 to index
      %swap3A_140 = tpu.vector_load %arg5[%swap3A_139] {strides = array<i32>} : memref<32768xf32, #tpu.memory_space<vmem>>, vector<16xf32>,
      tpu.vector_store %arg5[%swap3A_139], %broadcast_in_dim3A_4 {strides = array<i32>} : memref<32768xf32, #tpu.memory_space<vmem>>, vector<16xf32>,
      %mul3A_141 = arith.constant 16 : i32
      %mul3A_142 = arith.muli %scan3A_124, %mul3A_141 : i32
      %add3A_143 = arith.constant 2 : i32
      %add3A_144 = arith.addi %mul3A_142, %add3A_143 : i32
      %mul3A_145 = arith.constant 16 : i32
      %mul3A_146 = arith.muli %add3A_144, %mul3A_145 : i32
      %swap3A_147 = arith.index_cast %mul3A_146 : i32 to index
      %swap3A_148 = tpu.vector_load %arg5[%swap3A_147] {strides = array<i32>} : memref<32768xf32, #tpu.memory_space<vmem>>, vector<16xf32>,
      tpu.vector_store %arg5[%swap3A_147], %broadcast_in_dim3A_4 {strides = array<i32>} : memref<32768xf32, #tpu.memory_space<vmem>>, vector<16xf32>,
      %mul3A_149 = arith.constant 16 : i32
      %mul3A_150 = arith.muli %scan3A_124, %mul3A_149 : i32
      %add3A_151 = arith.constant 3 : i32
      %add3A_152 = arith.addi %mul3A_150, %add3A_151 : i32
      %mul3A_153 = arith.constant 16 : i32
      %mul3A_154 = arith.muli %add3A_152, %mul3A_153 : i32
      %swap3A_155 = arith.index_cast %mul3A_154 : i32 to index
      %swap3A_156 = tpu.vector_load %arg5[%swap3A_155] {strides = array<i32>} : memref<32768xf32, #tpu.memory_space<vmem>>, vector<16xf32>,
      tpu.vector_store %arg5[%swap3A_155], %broadcast_in_dim3A_4 {strides = array<i32>} : memref<32768xf32, #tpu.memory_space<vmem>>, vector<16xf32>,
      %mul3A_157 = arith.constant 16 : i32
      %mul3A_158 = arith.muli %scan3A_124, %mul3A_157 : i32
      %add3A_159 = arith.constant 4 : i32
      %add3A_160 = arith.addi %mul3A_158, %add3A_159 : i32
      %mul3A_161 = arith.constant 16 : i32
      %mul3A_162 = arith.muli %add3A_160, %mul3A_161 : i32
      %swap3A_163 = arith.index_cast %mul3A_162 : i32 to index
      %swap3A_164 = tpu.vector_load %arg5[%swap3A_163] {strides = array<i32>} : memref<32768xf32, #tpu.memory_space<vmem>>, vector<16xf32>,
      tpu.vector_store %arg5[%swap3A_163], %broadcast_in_dim3A_4 {strides = array<i32>} : memref<32768xf32, #tpu.memory_space<vmem>>, vector<16xf32>,
      %mul3A_165 = arith.constant 16 : i32
      %mul3A_166 = arith.muli %scan3A_124, %mul3A_165 : i32
      %add3A_167 = arith.constant 5 : i32
      %add3A_168 = arith.addi %mul3A_166, %add3A_167 : i32
      %mul3A_169 = arith.constant 16 : i32
      %mul3A_170 = arith.muli %add3A_168, %mul3A_169 : i32
      %swap3A_171 = arith.index_cast %mul3A_170 : i32 to index
      %swap3A_172 = tpu.vector_load %arg5[%swap3A_171] {strides = array<i32>} : memref<32768xf32, #tpu.memory_space<vmem>>, vector<16xf32>,
      tpu.vector_store %arg5[%swap3A_171], %broadcast_in_dim3A_4 {strides = array<i32>} : memref<32768xf32, #tpu.memory_space<vmem>>, vector<16xf32>,
      %mul3A_173 = arith.constant 16 : i32
      %mul3A_174 = arith.muli %scan3A_124, %mul3A_173 : i32
      %add3A_175 = arith.constant 6 : i32
      %add3A_176 = arith.addi %mul3A_174, %add3A_175 : i32
      %mul3A_177 = arith.constant 16 : i32
      %mul3A_178 = arith.muli %add3A_176, %mul3A_177 : i32
      %swap3A_179 = arith.index_cast %mul3A_178 : i32 to index
      %swap3A_180 = tpu.vector_load %arg5[%swap3A_179] {strides = array<i32>} : memref<32768xf32, #tpu.memory_space<vmem>>, vector<16xf32>,
      tpu.vector_store %arg5[%swap3A_179], %broadcast_in_dim3A_4 {strides = array<i32>} : memref<32768xf32, #tpu.memory_space<vmem>>, vector<16xf32>,
      %mul3A_181 = arith.constant 16 : i32
      %mul3A_182 = arith.muli %scan3A_124, %mul3A_181 : i32
      %add3A_183 = arith.constant 7 : i32
      %add3A_184 = arith.addi %mul3A_182, %add3A_183 : i32
      %mul3A_185 = arith.constant 16 : i32
      %mul3A_186 = arith.muli %add3A_184, %mul3A_185 : i32
      %swap3A_187 = arith.index_cast %mul3A_186 : i32 to index
      %swap3A_188 = tpu.vector_load %arg5[%swap3A_187] {strides = array<i32>} : memref<32768xf32, #tpu.memory_space<vmem>>, vector<16xf32>,
      tpu.vector_store %arg5[%swap3A_187], %broadcast_in_dim3A_4 {strides = array<i32>} : memref<32768xf32, #tpu.memory_space<vmem>>, vector<16xf32>,
      %mul3A_189 = arith.constant 16 : i32
      %mul3A_190 = arith.muli %scan3A_124, %mul3A_189 : i32
      %add3A_191 = arith.constant 8 : i32
      %add3A_192 = arith.addi %mul3A_190, %add3A_191 : i32
      %mul3A_193 = arith.constant 16 : i32
      %mul3A_194 = arith.muli %add3A_192, %mul3A_193 : i32
      %swap3A_195 = arith.index_cast %mul3A_194 : i32 to index
      %swap3A_196 = tpu.vector_load %arg5[%swap3A_195] {strides = array<i32>} : memref<32768xf32, #tpu.memory_space<vmem>>, vector<16xf32>,
      tpu.vector_store %arg5[%swap3A_195], %broadcast_in_dim3A_4 {strides = array<i32>} : memref<32768xf32, #tpu.memory_space<vmem>>, vector<16xf32>,
      %mul3A_197 = arith.constant 16 : i32
      %mul3A_198 = arith.muli %scan3A_124, %mul3A_197 : i32
      %add3A_199 = arith.constant 9 : i32
      %add3A_200 = arith.addi %mul3A_198, %add3A_199 : i32
      %mul3A_201 = arith.constant 16 : i32
      %mul3A_202 = arith.muli %add3A_200, %mul3A_201 : i32
      %swap3A_203 = arith.index_cast %mul3A_202 : i32 to index
      %swap3A_204 = tpu.vector_load %arg5[%swap3A_203] {strides = array<i32>} : memref<32768xf32, #tpu.memory_space<vmem>>, vector<16xf32>,
      tpu.vector_store %arg5[%swap3A_203], %broadcast_in_dim3A_4 {strides = array<i32>} : memref<32768xf32, #tpu.memory_space<vmem>>, vector<16xf32>,
      %mul3A_205 = arith.constant 16 : i32
      %mul3A_206 = arith.muli %scan3A_124, %mul3A_205 : i32
      %add3A_207 = arith.constant 10 : i32
      %add3A_208 = arith.addi %mul3A_206, %add3A_207 : i32
      %mul3A_209 = arith.constant 16 : i32
      %mul3A_210 = arith.muli %add3A_208, %mul3A_209 : i32
      %swap3A_211 = arith.index_cast %mul3A_210 : i32 to index
      %swap3A_212 = tpu.vector_load %arg5[%swap3A_211] {strides = array<i32>} : memref<32768xf32, #tpu.memory_space<vmem>>, vector<16xf32>,
      tpu.vector_store %arg5[%swap3A_211], %broadcast_in_dim3A_4 {strides = array<i32>} : memref<32768xf32, #tpu.memory_space<vmem>>, vector<16xf32>,
      %mul3A_213 = arith.constant 16 : i32
      %mul3A_214 = arith.muli %scan3A_124, %mul3A_213 : i32
      %add3A_215 = arith.constant 11 : i32
      %add3A_216 = arith.addi %mul3A_214, %add3A_215 : i32
      %mul3A_217 = arith.constant 16 : i32
      %mul3A_218 = arith.muli %add3A_216, %mul3A_217 : i32
      %swap3A_219 = arith.index_cast %mul3A_218 : i32 to index
      %swap3A_220 = tpu.vector_load %arg5[%swap3A_219] {strides = array<i32>} : memref<32768xf32, #tpu.memory_space<vmem>>, vector<16xf32>,
      tpu.vector_store %arg5[%swap3A_219], %broadcast_in_dim3A_4 {strides = array<i32>} : memref<32768xf32, #tpu.memory_space<vmem>>, vector<16xf32>,
      %mul3A_221 = arith.constant 16 : i32
      %mul3A_222 = arith.muli %scan3A_124, %mul3A_221 : i32
      %add3A_223 = arith.constant 12 : i32
      %add3A_224 = arith.addi %mul3A_222, %add3A_223 : i32
      %mul3A_225 = arith.constant 16 : i32
      %mul3A_226 = arith.muli %add3A_224, %mul3A_225 : i32
      %swap3A_227 = arith.index_cast %mul3A_226 : i32 to index
      %swap3A_228 = tpu.vector_load %arg5[%swap3A_227] {strides = array<i32>} : memref<32768xf32, #tpu.memory_space<vmem>>, vector<16xf32>,
      tpu.vector_store %arg5[%swap3A_227], %broadcast_in_dim3A_4 {strides = array<i32>} : memref<32768xf32, #tpu.memory_space<vmem>>, vector<16xf32>,
      %mul3A_229 = arith.constant 16 : i32
      %mul3A_230 = arith.muli %scan3A_124, %mul3A_229 : i32
      %add3A_231 = arith.constant 13 : i32
      %add3A_232 = arith.addi %mul3A_230, %add3A_231 : i32
      %mul3A_233 = arith.constant 16 : i32
      %mul3A_234 = arith.muli %add3A_232, %mul3A_233 : i32
      %swap3A_235 = arith.index_cast %mul3A_234 : i32 to index
      %swap3A_236 = tpu.vector_load %arg5[%swap3A_235] {strides = array<i32>} : memref<32768xf32, #tpu.memory_space<vmem>>, vector<16xf32>,
      tpu.vector_store %arg5[%swap3A_235], %broadcast_in_dim3A_4 {strides = array<i32>} : memref<32768xf32, #tpu.memory_space<vmem>>, vector<16xf32>,
      %mul3A_237 = arith.constant 16 : i32
      %mul3A_238 = arith.muli %scan3A_124, %mul3A_237 : i32
      %add3A_239 = arith.constant 14 : i32
      %add3A_240 = arith.addi %mul3A_238, %add3A_239 : i32
      %mul3A_241 = arith.constant 16 : i32
      %mul3A_242 = arith.muli %add3A_240, %mul3A_241 : i32
      %swap3A_243 = arith.index_cast %mul3A_242 : i32 to index
      %swap3A_244 = tpu.vector_load %arg5[%swap3A_243] {strides = array<i32>} : memref<32768xf32, #tpu.memory_space<vmem>>, vector<16xf32>,
      tpu.vector_store %arg5[%swap3A_243], %broadcast_in_dim3A_4 {strides = array<i32>} : memref<32768xf32, #tpu.memory_space<vmem>>, vector<16xf32>,
      %mul3A_245 = arith.constant 16 : i32
      %mul3A_246 = arith.muli %scan3A_124, %mul3A_245 : i32
      %add3A_247 = arith.constant 15 : i32
      %add3A_248 = arith.addi %mul3A_246, %add3A_247 : i32
      %mul3A_249 = arith.constant 16 : i32
      %mul3A_250 = arith.muli %add3A_248, %mul3A_249 : i32
      %swap3A_251 = arith.index_cast %mul3A_250 : i32 to index
      %swap3A_252 = tpu.vector_load %arg5[%swap3A_251] {strides = array<i32>} : memref<32768xf32, #tpu.memory_space<vmem>>, vector<16xf32>,
      tpu.vector_store %arg5[%swap3A_251], %broadcast_in_dim3A_4 {strides = array<i32>} : memref<32768xf32, #tpu.memory_space<vmem>>, vector<16xf32>,
      %scan3A_253 = arith.constant 0 : i32
      scf.yield %scan3A_253 : i32
    }
    %scan3A_10 = arith.constant 128 : i32
    %dma_wait3A = tpu.memref_slice %arg2[%mul3A_2] : memref<51200xi32, #tpu.memory_space<hbm>> -> memref<1600xi32, #tpu.memory_space<hbm>>
    %dma_wait3A_11 = tpu.memref_slice %arg2[%mul3A_2] : memref<51200xi32, #tpu.memory_space<hbm>> -> memref<1600xi32, #tpu.memory_space<hbm>>
    tpu.wait_dma2 semaphore(%arg7 : memref<!tpu.dma_semaphore, #tpu.memory_space<semaphore_mem>>) src(%dma_wait3A_11 : memref<1600xi32, #tpu.memory_space<hbm>>) dst(%arg4 : memref<1600xi32, #tpu.memory_space<vmem>>)
    %broadcast_in_dim3A_12 = arith.constant 1.000000e+00 : f32
    %broadcast_in_dim3A_13 = vector.broadcast %broadcast_in_dim3A_12 : f32 to vector<16xf32>
    %iota3A = tpu.iota {dimensions = array<i32: 0>} : vector<16xi32>
    %ge3A = arith.constant 14 : i32
    %ge3A_14 = vector.broadcast %ge3A : i32 to vector<16xi32>
    %ge3A_15 = arith.cmpi sge, %iota3A, %ge3A_14 : vector<16xi32>
    %scan3A_16 = arith.constant 0 : i32
    %scan3A_17 = arith.constant 0 : i32
    %scan3A_18 = arith.constant 8 : i32
    %scan3A_19 = arith.addi %scan3A_17, %scan3A_18 : i32
    %scan3A_20 = arith.constant 1 : i32
    %scan3A_21 = scf.for %scan3A_124 = %scan3A_17 to %scan3A_19 step %scan3A_20 iter_args(%scan3A_125 = %scan3A_16) -> (i32)  : i32 {
      %mul3A_126 = arith.constant 1024 : i32
      %mul3A_127 = arith.muli %scan3A_124, %mul3A_126 : i32
      %mul3A_128 = arith.constant 50 : i32
      %mul3A_129 = arith.muli %scan3A_124, %mul3A_128 : i32
      %add3A_130 = arith.constant 0 : i32
      %add3A_131 = arith.addi %mul3A_129, %add3A_130 : i32
      %get3A = arith.index_cast %add3A_131 : i32 to index
      %get3A_132 = tpu.vector_load %arg4[%get3A] {strides = array<i32>} : memref<1600xi32, #tpu.memory_space<vmem>>, vector<16xi32>,
      %add3A_133 = vector.broadcast %mul3A_127 : i32 to vector<16xi32>
      %add3A_134 = arith.addi %get3A_132, %add3A_133 : vector<16xi32>
      tpu.vector_store_idx %arg5[%add3A_134], %broadcast_in_dim3A_13 {add = true} : memref<32768xf32, #tpu.memory_space<vmem>>[vector<16xi32>], vector<16xf32>,
      %mul3A_135 = arith.constant 50 : i32
      %mul3A_136 = arith.muli %scan3A_124, %mul3A_135 : i32
      %add3A_137 = arith.constant 16 : i32
      %add3A_138 = arith.addi %mul3A_136, %add3A_137 : i32
      %get3A_139 = arith.index_cast %add3A_138 : i32 to index
      %get3A_140 = tpu.vector_load %arg4[%get3A_139] {strides = array<i32>} : memref<1600xi32, #tpu.memory_space<vmem>>, vector<16xi32>,
      %add3A_141 = vector.broadcast %mul3A_127 : i32 to vector<16xi32>
      %add3A_142 = arith.addi %get3A_140, %add3A_141 : vector<16xi32>
      tpu.vector_store_idx %arg5[%add3A_142], %broadcast_in_dim3A_13 {add = true} : memref<32768xf32, #tpu.memory_space<vmem>>[vector<16xi32>], vector<16xf32>,
      %mul3A_143 = arith.constant 50 : i32
      %mul3A_144 = arith.muli %scan3A_124, %mul3A_143 : i32
      %add3A_145 = arith.constant 32 : i32
      %add3A_146 = arith.addi %mul3A_144, %add3A_145 : i32
      %get3A_147 = arith.index_cast %add3A_146 : i32 to index
      %get3A_148 = tpu.vector_load %arg4[%get3A_147] {strides = array<i32>} : memref<1600xi32, #tpu.memory_space<vmem>>, vector<16xi32>,
      %add3A_149 = vector.broadcast %mul3A_127 : i32 to vector<16xi32>
      %add3A_150 = arith.addi %get3A_148, %add3A_149 : vector<16xi32>
      tpu.vector_store_idx %arg5[%add3A_150], %broadcast_in_dim3A_13 {add = true} : memref<32768xf32, #tpu.memory_space<vmem>>[vector<16xi32>], vector<16xf32>,
      %mul3A_151 = arith.constant 50 : i32
      %mul3A_152 = arith.muli %scan3A_124, %mul3A_151 : i32
      %add3A_153 = arith.constant 50 : i32
      %add3A_154 = arith.addi %mul3A_152, %add3A_153 : i32
      %sub3A = arith.constant 16 : i32
      %sub3A_155 = arith.subi %add3A_154, %sub3A : i32
      %get3A_156 = arith.index_cast %sub3A_155 : i32 to index
      %get3A_157 = tpu.vector_load %arg4[%get3A_156] {strides = array<i32>} : memref<1600xi32, #tpu.memory_space<vmem>>, vector<16xi32>,
      %add3A_158 = vector.broadcast %mul3A_127 : i32 to vector<16xi32>
      %add3A_159 = arith.addi %get3A_157, %add3A_158 : vector<16xi32>
      tpu.vector_store_idx %arg5[%add3A_159], %broadcast_in_dim3A_13 masked %ge3A_15 {add = true} : memref<32768xf32, #tpu.memory_space<vmem>>[vector<16xi32>], vector<16xf32>, vector<16xi1>
      %scan3A_160 = arith.constant 0 : i32
      scf.yield %scan3A_160 : i32
    }
    %scan3A_22 = arith.constant 8 : i32
    %dma_start3A_23 = arith.constant 0 : i32
    %dma_start3A_24 = tpu.memref_slice %arg5[%dma_start3A_23] : memref<32768xf32, #tpu.memory_space<vmem>> -> memref<8192xf32, #tpu.memory_space<vmem>>
    %dma_start3A_25 = arith.constant 0 : i32
    %dma_start3A_26 = tpu.memref_slice %arg3[%add3A, %dma_start3A_25] : memref<32x32768xf32, #tpu.memory_space<hbm>> -> memref<1x8192xf32, #tpu.memory_space<hbm>>
    %dma_start3A_27 = tpu.memref_squeeze %dma_start3A_26 : memref<1x8192xf32, #tpu.memory_space<hbm>> -> memref<8192xf32, #tpu.memory_space<hbm>>
    %dma_start3A_28 = arith.constant 0 : i32
    %dma_start3A_29 = tpu.memref_slice %arg3[%add3A, %dma_start3A_28] : memref<32x32768xf32, #tpu.memory_space<hbm>> -> memref<1x8192xf32, #tpu.memory_space<hbm>>
    %dma_start3A_30 = tpu.memref_squeeze %dma_start3A_29 : memref<1x8192xf32, #tpu.memory_space<hbm>> -> memref<8192xf32, #tpu.memory_space<hbm>>
    %dma_start3A_31 = arith.constant 0 : i32
    %dma_start3A_32 = tpu.memref_slice %arg5[%dma_start3A_31] : memref<32768xf32, #tpu.memory_space<vmem>> -> memref<8192xf32, #tpu.memory_space<vmem>>
    tpu.enqueue_dma source(%dma_start3A_32 : memref<8192xf32, #tpu.memory_space<vmem>>) target(%dma_start3A_30 : memref<8192xf32, #tpu.memory_space<hbm>>) target_semaphore(%arg6 : memref<!tpu.dma_semaphore, #tpu.memory_space<semaphore_mem>>)
    %scan3A_33 = arith.constant 0 : i32
    %scan3A_34 = arith.constant 8 : i32
    %scan3A_35 = arith.constant 8 : i32
    %scan3A_36 = arith.addi %scan3A_34, %scan3A_35 : i32
    %scan3A_37 = arith.constant 1 : i32
    %scan3A_38 = scf.for %scan3A_124 = %scan3A_34 to %scan3A_36 step %scan3A_37 iter_args(%scan3A_125 = %scan3A_33) -> (i32)  : i32 {
      %mul3A_126 = arith.constant 1024 : i32
      %mul3A_127 = arith.muli %scan3A_124, %mul3A_126 : i32
      %mul3A_128 = arith.constant 50 : i32
      %mul3A_129 = arith.muli %scan3A_124, %mul3A_128 : i32
      %add3A_130 = arith.constant 0 : i32
      %add3A_131 = arith.addi %mul3A_129, %add3A_130 : i32
      %get3A = arith.index_cast %add3A_131 : i32 to index
      %get3A_132 = tpu.vector_load %arg4[%get3A] {strides = array<i32>} : memref<1600xi32, #tpu.memory_space<vmem>>, vector<16xi32>,
      %add3A_133 = vector.broadcast %mul3A_127 : i32 to vector<16xi32>
      %add3A_134 = arith.addi %get3A_132, %add3A_133 : vector<16xi32>
      tpu.vector_store_idx %arg5[%add3A_134], %broadcast_in_dim3A_13 {add = true} : memref<32768xf32, #tpu.memory_space<vmem>>[vector<16xi32>], vector<16xf32>,
      %mul3A_135 = arith.constant 50 : i32
      %mul3A_136 = arith.muli %scan3A_124, %mul3A_135 : i32
      %add3A_137 = arith.constant 16 : i32
      %add3A_138 = arith.addi %mul3A_136, %add3A_137 : i32
      %get3A_139 = arith.index_cast %add3A_138 : i32 to index
      %get3A_140 = tpu.vector_load %arg4[%get3A_139] {strides = array<i32>} : memref<1600xi32, #tpu.memory_space<vmem>>, vector<16xi32>,
      %add3A_141 = vector.broadcast %mul3A_127 : i32 to vector<16xi32>
      %add3A_142 = arith.addi %get3A_140, %add3A_141 : vector<16xi32>
      tpu.vector_store_idx %arg5[%add3A_142], %broadcast_in_dim3A_13 {add = true} : memref<32768xf32, #tpu.memory_space<vmem>>[vector<16xi32>], vector<16xf32>,
      %mul3A_143 = arith.constant 50 : i32
      %mul3A_144 = arith.muli %scan3A_124, %mul3A_143 : i32
      %add3A_145 = arith.constant 32 : i32
      %add3A_146 = arith.addi %mul3A_144, %add3A_145 : i32
      %get3A_147 = arith.index_cast %add3A_146 : i32 to index
      %get3A_148 = tpu.vector_load %arg4[%get3A_147] {strides = array<i32>} : memref<1600xi32, #tpu.memory_space<vmem>>, vector<16xi32>,
      %add3A_149 = vector.broadcast %mul3A_127 : i32 to vector<16xi32>
      %add3A_150 = arith.addi %get3A_148, %add3A_149 : vector<16xi32>
      tpu.vector_store_idx %arg5[%add3A_150], %broadcast_in_dim3A_13 {add = true} : memref<32768xf32, #tpu.memory_space<vmem>>[vector<16xi32>], vector<16xf32>,
      %mul3A_151 = arith.constant 50 : i32
      %mul3A_152 = arith.muli %scan3A_124, %mul3A_151 : i32
      %add3A_153 = arith.constant 50 : i32
      %add3A_154 = arith.addi %mul3A_152, %add3A_153 : i32
      %sub3A = arith.constant 16 : i32
      %sub3A_155 = arith.subi %add3A_154, %sub3A : i32
      %get3A_156 = arith.index_cast %sub3A_155 : i32 to index
      %get3A_157 = tpu.vector_load %arg4[%get3A_156] {strides = array<i32>} : memref<1600xi32, #tpu.memory_space<vmem>>, vector<16xi32>,
      %add3A_158 = vector.broadcast %mul3A_127 : i32 to vector<16xi32>
      %add3A_159 = arith.addi %get3A_157, %add3A_158 : vector<16xi32>
      tpu.vector_store_idx %arg5[%add3A_159], %broadcast_in_dim3A_13 masked %ge3A_15 {add = true} : memref<32768xf32, #tpu.memory_space<vmem>>[vector<16xi32>], vector<16xf32>, vector<16xi1>
      %scan3A_160 = arith.constant 0 : i32
      scf.yield %scan3A_160 : i32
    }
    %scan3A_39 = arith.constant 8 : i32
    %dma_start3A_40 = arith.constant 8192 : i32
    %dma_start3A_41 = tpu.memref_slice %arg5[%dma_start3A_40] : memref<32768xf32, #tpu.memory_space<vmem>> -> memref<8192xf32, #tpu.memory_space<vmem>>
    %dma_start3A_42 = arith.constant 8192 : i32
    %dma_start3A_43 = tpu.memref_slice %arg3[%add3A, %dma_start3A_42] : memref<32x32768xf32, #tpu.memory_space<hbm>> -> memref<1x8192xf32, #tpu.memory_space<hbm>>
    %dma_start3A_44 = tpu.memref_squeeze %dma_start3A_43 : memref<1x8192xf32, #tpu.memory_space<hbm>> -> memref<8192xf32, #tpu.memory_space<hbm>>
    %dma_start3A_45 = arith.constant 8192 : i32
    %dma_start3A_46 = tpu.memref_slice %arg3[%add3A, %dma_start3A_45] : memref<32x32768xf32, #tpu.memory_space<hbm>> -> memref<1x8192xf32, #tpu.memory_space<hbm>>
    %dma_start3A_47 = tpu.memref_squeeze %dma_start3A_46 : memref<1x8192xf32, #tpu.memory_space<hbm>> -> memref<8192xf32, #tpu.memory_space<hbm>>
    %dma_start3A_48 = arith.constant 8192 : i32
    %dma_start3A_49 = tpu.memref_slice %arg5[%dma_start3A_48] : memref<32768xf32, #tpu.memory_space<vmem>> -> memref<8192xf32, #tpu.memory_space<vmem>>
    tpu.enqueue_dma source(%dma_start3A_49 : memref<8192xf32, #tpu.memory_space<vmem>>) target(%dma_start3A_47 : memref<8192xf32, #tpu.memory_space<hbm>>) target_semaphore(%arg6 : memref<!tpu.dma_semaphore, #tpu.memory_space<semaphore_mem>>)
    %scan3A_50 = arith.constant 0 : i32
    %scan3A_51 = arith.constant 16 : i32
    %scan3A_52 = arith.constant 8 : i32
    %scan3A_53 = arith.addi %scan3A_51, %scan3A_52 : i32
    %scan3A_54 = arith.constant 1 : i32
    %scan3A_55 = scf.for %scan3A_124 = %scan3A_51 to %scan3A_53 step %scan3A_54 iter_args(%scan3A_125 = %scan3A_50) -> (i32)  : i32 {
      %mul3A_126 = arith.constant 1024 : i32
      %mul3A_127 = arith.muli %scan3A_124, %mul3A_126 : i32
      %mul3A_128 = arith.constant 50 : i32
      %mul3A_129 = arith.muli %scan3A_124, %mul3A_128 : i32
      %add3A_130 = arith.constant 0 : i32
      %add3A_131 = arith.addi %mul3A_129, %add3A_130 : i32
      %get3A = arith.index_cast %add3A_131 : i32 to index
      %get3A_132 = tpu.vector_load %arg4[%get3A] {strides = array<i32>} : memref<1600xi32, #tpu.memory_space<vmem>>, vector<16xi32>,
      %add3A_133 = vector.broadcast %mul3A_127 : i32 to vector<16xi32>
      %add3A_134 = arith.addi %get3A_132, %add3A_133 : vector<16xi32>
      tpu.vector_store_idx %arg5[%add3A_134], %broadcast_in_dim3A_13 {add = true} : memref<32768xf32, #tpu.memory_space<vmem>>[vector<16xi32>], vector<16xf32>,
      %mul3A_135 = arith.constant 50 : i32
      %mul3A_136 = arith.muli %scan3A_124, %mul3A_135 : i32
      %add3A_137 = arith.constant 16 : i32
      %add3A_138 = arith.addi %mul3A_136, %add3A_137 : i32
      %get3A_139 = arith.index_cast %add3A_138 : i32 to index
      %get3A_140 = tpu.vector_load %arg4[%get3A_139] {strides = array<i32>} : memref<1600xi32, #tpu.memory_space<vmem>>, vector<16xi32>,
      %add3A_141 = vector.broadcast %mul3A_127 : i32 to vector<16xi32>
      %add3A_142 = arith.addi %get3A_140, %add3A_141 : vector<16xi32>
      tpu.vector_store_idx %arg5[%add3A_142], %broadcast_in_dim3A_13 {add = true} : memref<32768xf32, #tpu.memory_space<vmem>>[vector<16xi32>], vector<16xf32>,
      %mul3A_143 = arith.constant 50 : i32
      %mul3A_144 = arith.muli %scan3A_124, %mul3A_143 : i32
      %add3A_145 = arith.constant 32 : i32
      %add3A_146 = arith.addi %mul3A_144, %add3A_145 : i32
      %get3A_147 = arith.index_cast %add3A_146 : i32 to index
      %get3A_148 = tpu.vector_load %arg4[%get3A_147] {strides = array<i32>} : memref<1600xi32, #tpu.memory_space<vmem>>, vector<16xi32>,
      %add3A_149 = vector.broadcast %mul3A_127 : i32 to vector<16xi32>
      %add3A_150 = arith.addi %get3A_148, %add3A_149 : vector<16xi32>
      tpu.vector_store_idx %arg5[%add3A_150], %broadcast_in_dim3A_13 {add = true} : memref<32768xf32, #tpu.memory_space<vmem>>[vector<16xi32>], vector<16xf32>,
      %mul3A_151 = arith.constant 50 : i32
      %mul3A_152 = arith.muli %scan3A_124, %mul3A_151 : i32
      %add3A_153 = arith.constant 50 : i32
      %add3A_154 = arith.addi %mul3A_152, %add3A_153 : i32
      %sub3A = arith.constant 16 : i32
      %sub3A_155 = arith.subi %add3A_154, %sub3A : i32
      %get3A_156 = arith.index_cast %sub3A_155 : i32 to index
      %get3A_157 = tpu.vector_load %arg4[%get3A_156] {strides = array<i32>} : memref<1600xi32, #tpu.memory_space<vmem>>, vector<16xi32>,
      %add3A_158 = vector.broadcast %mul3A_127 : i32 to vector<16xi32>
      %add3A_159 = arith.addi %get3A_157, %add3A_158 : vector<16xi32>
      tpu.vector_store_idx %arg5[%add3A_159], %broadcast_in_dim3A_13 masked %ge3A_15 {add = true} : memref<32768xf32, #tpu.memory_space<vmem>>[vector<16xi32>], vector<16xf32>, vector<16xi1>
      %scan3A_160 = arith.constant 0 : i32
      scf.yield %scan3A_160 : i32
    }
    %scan3A_56 = arith.constant 8 : i32
    %dma_start3A_57 = arith.constant 16384 : i32
    %dma_start3A_58 = tpu.memref_slice %arg5[%dma_start3A_57] : memref<32768xf32, #tpu.memory_space<vmem>> -> memref<8192xf32, #tpu.memory_space<vmem>>
    %dma_start3A_59 = arith.constant 16384 : i32
    %dma_start3A_60 = tpu.memref_slice %arg3[%add3A, %dma_start3A_59] : memref<32x32768xf32, #tpu.memory_space<hbm>> -> memref<1x8192xf32, #tpu.memory_space<hbm>>
    %dma_start3A_61 = tpu.memref_squeeze %dma_start3A_60 : memref<1x8192xf32, #tpu.memory_space<hbm>> -> memref<8192xf32, #tpu.memory_space<hbm>>
    %dma_start3A_62 = arith.constant 16384 : i32
    %dma_start3A_63 = tpu.memref_slice %arg3[%add3A, %dma_start3A_62] : memref<32x32768xf32, #tpu.memory_space<hbm>> -> memref<1x8192xf32, #tpu.memory_space<hbm>>
    %dma_start3A_64 = tpu.memref_squeeze %dma_start3A_63 : memref<1x8192xf32, #tpu.memory_space<hbm>> -> memref<8192xf32, #tpu.memory_space<hbm>>
    %dma_start3A_65 = arith.constant 16384 : i32
    %dma_start3A_66 = tpu.memref_slice %arg5[%dma_start3A_65] : memref<32768xf32, #tpu.memory_space<vmem>> -> memref<8192xf32, #tpu.memory_space<vmem>>
    tpu.enqueue_dma source(%dma_start3A_66 : memref<8192xf32, #tpu.memory_space<vmem>>) target(%dma_start3A_64 : memref<8192xf32, #tpu.memory_space<hbm>>) target_semaphore(%arg6 : memref<!tpu.dma_semaphore, #tpu.memory_space<semaphore_mem>>)
    %scan3A_67 = arith.constant 0 : i32
    %scan3A_68 = arith.constant 24 : i32
    %scan3A_69 = arith.constant 8 : i32
    %scan3A_70 = arith.addi %scan3A_68, %scan3A_69 : i32
    %scan3A_71 = arith.constant 1 : i32
    %scan3A_72 = scf.for %scan3A_124 = %scan3A_68 to %scan3A_70 step %scan3A_71 iter_args(%scan3A_125 = %scan3A_67) -> (i32)  : i32 {
      %mul3A_126 = arith.constant 1024 : i32
      %mul3A_127 = arith.muli %scan3A_124, %mul3A_126 : i32
      %mul3A_128 = arith.constant 50 : i32
      %mul3A_129 = arith.muli %scan3A_124, %mul3A_128 : i32
      %add3A_130 = arith.constant 0 : i32
      %add3A_131 = arith.addi %mul3A_129, %add3A_130 : i32
      %get3A = arith.index_cast %add3A_131 : i32 to index
      %get3A_132 = tpu.vector_load %arg4[%get3A] {strides = array<i32>} : memref<1600xi32, #tpu.memory_space<vmem>>, vector<16xi32>,
      %add3A_133 = vector.broadcast %mul3A_127 : i32 to vector<16xi32>
      %add3A_134 = arith.addi %get3A_132, %add3A_133 : vector<16xi32>
      tpu.vector_store_idx %arg5[%add3A_134], %broadcast_in_dim3A_13 {add = true} : memref<32768xf32, #tpu.memory_space<vmem>>[vector<16xi32>], vector<16xf32>,
      %mul3A_135 = arith.constant 50 : i32
      %mul3A_136 = arith.muli %scan3A_124, %mul3A_135 : i32
      %add3A_137 = arith.constant 16 : i32
      %add3A_138 = arith.addi %mul3A_136, %add3A_137 : i32
      %get3A_139 = arith.index_cast %add3A_138 : i32 to index
      %get3A_140 = tpu.vector_load %arg4[%get3A_139] {strides = array<i32>} : memref<1600xi32, #tpu.memory_space<vmem>>, vector<16xi32>,
      %add3A_141 = vector.broadcast %mul3A_127 : i32 to vector<16xi32>
      %add3A_142 = arith.addi %get3A_140, %add3A_141 : vector<16xi32>
      tpu.vector_store_idx %arg5[%add3A_142], %broadcast_in_dim3A_13 {add = true} : memref<32768xf32, #tpu.memory_space<vmem>>[vector<16xi32>], vector<16xf32>,
      %mul3A_143 = arith.constant 50 : i32
      %mul3A_144 = arith.muli %scan3A_124, %mul3A_143 : i32
      %add3A_145 = arith.constant 32 : i32
      %add3A_146 = arith.addi %mul3A_144, %add3A_145 : i32
      %get3A_147 = arith.index_cast %add3A_146 : i32 to index
      %get3A_148 = tpu.vector_load %arg4[%get3A_147] {strides = array<i32>} : memref<1600xi32, #tpu.memory_space<vmem>>, vector<16xi32>,
      %add3A_149 = vector.broadcast %mul3A_127 : i32 to vector<16xi32>
      %add3A_150 = arith.addi %get3A_148, %add3A_149 : vector<16xi32>
      tpu.vector_store_idx %arg5[%add3A_150], %broadcast_in_dim3A_13 {add = true} : memref<32768xf32, #tpu.memory_space<vmem>>[vector<16xi32>], vector<16xf32>,
      %mul3A_151 = arith.constant 50 : i32
      %mul3A_152 = arith.muli %scan3A_124, %mul3A_151 : i32
      %add3A_153 = arith.constant 50 : i32
      %add3A_154 = arith.addi %mul3A_152, %add3A_153 : i32
      %sub3A = arith.constant 16 : i32
      %sub3A_155 = arith.subi %add3A_154, %sub3A : i32
      %get3A_156 = arith.index_cast %sub3A_155 : i32 to index
      %get3A_157 = tpu.vector_load %arg4[%get3A_156] {strides = array<i32>} : memref<1600xi32, #tpu.memory_space<vmem>>, vector<16xi32>,
      %add3A_158 = vector.broadcast %mul3A_127 : i32 to vector<16xi32>
      %add3A_159 = arith.addi %get3A_157, %add3A_158 : vector<16xi32>
      tpu.vector_store_idx %arg5[%add3A_159], %broadcast_in_dim3A_13 masked %ge3A_15 {add = true} : memref<32768xf32, #tpu.memory_space<vmem>>[vector<16xi32>], vector<16xf32>, vector<16xi1>
      %scan3A_160 = arith.constant 0 : i32
      scf.yield %scan3A_160 : i32
    }
    %scan3A_73 = arith.constant 8 : i32
    %dma_start3A_74 = arith.constant 24576 : i32
    %dma_start3A_75 = tpu.memref_slice %arg5[%dma_start3A_74] : memref<32768xf32, #tpu.memory_space<vmem>> -> memref<8192xf32, #tpu.memory_space<vmem>>
    %dma_start3A_76 = arith.constant 24576 : i32
    %dma_start3A_77 = tpu.memref_slice %arg3[%add3A, %dma_start3A_76] : memref<32x32768xf32, #tpu.memory_space<hbm>> -> memref<1x8192xf32, #tpu.memory_space<hbm>>
    %dma_start3A_78 = tpu.memref_squeeze %dma_start3A_77 : memref<1x8192xf32, #tpu.memory_space<hbm>> -> memref<8192xf32, #tpu.memory_space<hbm>>
    %dma_start3A_79 = arith.constant 24576 : i32
    %dma_start3A_80 = tpu.memref_slice %arg3[%add3A, %dma_start3A_79] : memref<32x32768xf32, #tpu.memory_space<hbm>> -> memref<1x8192xf32, #tpu.memory_space<hbm>>
    %dma_start3A_81 = tpu.memref_squeeze %dma_start3A_80 : memref<1x8192xf32, #tpu.memory_space<hbm>> -> memref<8192xf32, #tpu.memory_space<hbm>>
    %dma_start3A_82 = arith.constant 24576 : i32
    %dma_start3A_83 = tpu.memref_slice %arg5[%dma_start3A_82] : memref<32768xf32, #tpu.memory_space<vmem>> -> memref<8192xf32, #tpu.memory_space<vmem>>
    tpu.enqueue_dma source(%dma_start3A_83 : memref<8192xf32, #tpu.memory_space<vmem>>) target(%dma_start3A_81 : memref<8192xf32, #tpu.memory_space<hbm>>) target_semaphore(%arg6 : memref<!tpu.dma_semaphore, #tpu.memory_space<semaphore_mem>>)
    %dma_wait3A_84 = arith.constant 0 : i32
    %dma_wait3A_85 = tpu.memref_slice %arg5[%dma_wait3A_84] : memref<32768xf32, #tpu.memory_space<vmem>> -> memref<8192xf32, #tpu.memory_space<vmem>>
    %dma_wait3A_86 = arith.constant 0 : i32
    %dma_wait3A_87 = tpu.memref_slice %arg3[%add3A, %dma_wait3A_86] : memref<32x32768xf32, #tpu.memory_space<hbm>> -> memref<1x8192xf32, #tpu.memory_space<hbm>>
    %dma_wait3A_88 = tpu.memref_squeeze %dma_wait3A_87 : memref<1x8192xf32, #tpu.memory_space<hbm>> -> memref<8192xf32, #tpu.memory_space<hbm>>
    %dma_wait3A_89 = arith.constant 0 : i32
    %dma_wait3A_90 = tpu.memref_slice %arg3[%add3A, %dma_wait3A_89] : memref<32x32768xf32, #tpu.memory_space<hbm>> -> memref<1x8192xf32, #tpu.memory_space<hbm>>
    %dma_wait3A_91 = tpu.memref_squeeze %dma_wait3A_90 : memref<1x8192xf32, #tpu.memory_space<hbm>> -> memref<8192xf32, #tpu.memory_space<hbm>>
    %dma_wait3A_92 = arith.constant 0 : i32
    %dma_wait3A_93 = tpu.memref_slice %arg5[%dma_wait3A_92] : memref<32768xf32, #tpu.memory_space<vmem>> -> memref<8192xf32, #tpu.memory_space<vmem>>
    tpu.wait_dma2 semaphore(%arg6 : memref<!tpu.dma_semaphore, #tpu.memory_space<semaphore_mem>>) src(%dma_wait3A_93 : memref<8192xf32, #tpu.memory_space<vmem>>) dst(%dma_wait3A_91 : memref<8192xf32, #tpu.memory_space<hbm>>)
    %dma_wait3A_94 = arith.constant 8192 : i32
    %dma_wait3A_95 = tpu.memref_slice %arg5[%dma_wait3A_94] : memref<32768xf32, #tpu.memory_space<vmem>> -> memref<8192xf32, #tpu.memory_space<vmem>>
    %dma_wait3A_96 = arith.constant 8192 : i32
    %dma_wait3A_97 = tpu.memref_slice %arg3[%add3A, %dma_wait3A_96] : memref<32x32768xf32, #tpu.memory_space<hbm>> -> memref<1x8192xf32, #tpu.memory_space<hbm>>
    %dma_wait3A_98 = tpu.memref_squeeze %dma_wait3A_97 : memref<1x8192xf32, #tpu.memory_space<hbm>> -> memref<8192xf32, #tpu.memory_space<hbm>>
    %dma_wait3A_99 = arith.constant 8192 : i32
    %dma_wait3A_100 = tpu.memref_slice %arg3[%add3A, %dma_wait3A_99] : memref<32x32768xf32, #tpu.memory_space<hbm>> -> memref<1x8192xf32, #tpu.memory_space<hbm>>
    %dma_wait3A_101 = tpu.memref_squeeze %dma_wait3A_100 : memref<1x8192xf32, #tpu.memory_space<hbm>> -> memref<8192xf32, #tpu.memory_space<hbm>>
    %dma_wait3A_102 = arith.constant 8192 : i32
    %dma_wait3A_103 = tpu.memref_slice %arg5[%dma_wait3A_102] : memref<32768xf32, #tpu.memory_space<vmem>> -> memref<8192xf32, #tpu.memory_space<vmem>>
    tpu.wait_dma2 semaphore(%arg6 : memref<!tpu.dma_semaphore, #tpu.memory_space<semaphore_mem>>) src(%dma_wait3A_103 : memref<8192xf32, #tpu.memory_space<vmem>>) dst(%dma_wait3A_101 : memref<8192xf32, #tpu.memory_space<hbm>>)
    %dma_wait3A_104 = arith.constant 16384 : i32
    %dma_wait3A_105 = tpu.memref_slice %arg5[%dma_wait3A_104] : memref<32768xf32, #tpu.memory_space<vmem>> -> memref<8192xf32, #tpu.memory_space<vmem>>
    %dma_wait3A_106 = arith.constant 16384 : i32
    %dma_wait3A_107 = tpu.memref_slice %arg3[%add3A, %dma_wait3A_106] : memref<32x32768xf32, #tpu.memory_space<hbm>> -> memref<1x8192xf32, #tpu.memory_space<hbm>>
    %dma_wait3A_108 = tpu.memref_squeeze %dma_wait3A_107 : memref<1x8192xf32, #tpu.memory_space<hbm>> -> memref<8192xf32, #tpu.memory_space<hbm>>
    %dma_wait3A_109 = arith.constant 16384 : i32
    %dma_wait3A_110 = tpu.memref_slice %arg3[%add3A, %dma_wait3A_109] : memref<32x32768xf32, #tpu.memory_space<hbm>> -> memref<1x8192xf32, #tpu.memory_space<hbm>>
    %dma_wait3A_111 = tpu.memref_squeeze %dma_wait3A_110 : memref<1x8192xf32, #tpu.memory_space<hbm>> -> memref<8192xf32, #tpu.memory_space<hbm>>
    %dma_wait3A_112 = arith.constant 16384 : i32
    %dma_wait3A_113 = tpu.memref_slice %arg5[%dma_wait3A_112] : memref<32768xf32, #tpu.memory_space<vmem>> -> memref<8192xf32, #tpu.memory_space<vmem>>
    tpu.wait_dma2 semaphore(%arg6 : memref<!tpu.dma_semaphore, #tpu.memory_space<semaphore_mem>>) src(%dma_wait3A_113 : memref<8192xf32, #tpu.memory_space<vmem>>) dst(%dma_wait3A_111 : memref<8192xf32, #tpu.memory_space<hbm>>)
    %dma_wait3A_114 = arith.constant 24576 : i32
    %dma_wait3A_115 = tpu.memref_slice %arg5[%dma_wait3A_114] : memref<32768xf32, #tpu.memory_space<vmem>> -> memref<8192xf32, #tpu.memory_space<vmem>>
    %dma_wait3A_116 = arith.constant 24576 : i32
    %dma_wait3A_117 = tpu.memref_slice %arg3[%add3A, %dma_wait3A_116] : memref<32x32768xf32, #tpu.memory_space<hbm>> -> memref<1x8192xf32, #tpu.memory_space<hbm>>
    %dma_wait3A_118 = tpu.memref_squeeze %dma_wait3A_117 : memref<1x8192xf32, #tpu.memory_space<hbm>> -> memref<8192xf32, #tpu.memory_space<hbm>>
    %dma_wait3A_119 = arith.constant 24576 : i32
    %dma_wait3A_120 = tpu.memref_slice %arg3[%add3A, %dma_wait3A_119] : memref<32x32768xf32, #tpu.memory_space<hbm>> -> memref<1x8192xf32, #tpu.memory_space<hbm>>
    %dma_wait3A_121 = tpu.memref_squeeze %dma_wait3A_120 : memref<1x8192xf32, #tpu.memory_space<hbm>> -> memref<8192xf32, #tpu.memory_space<hbm>>
    %dma_wait3A_122 = arith.constant 24576 : i32
    %dma_wait3A_123 = tpu.memref_slice %arg5[%dma_wait3A_122] : memref<32768xf32, #tpu.memory_space<vmem>> -> memref<8192xf32, #tpu.memory_space<vmem>>
    tpu.wait_dma2 semaphore(%arg6 : memref<!tpu.dma_semaphore, #tpu.memory_space<semaphore_mem>>) src(%dma_wait3A_123 : memref<8192xf32, #tpu.memory_space<vmem>>) dst(%dma_wait3A_121 : memref<8192xf32, #tpu.memory_space<hbm>>)
    return
  }
}

module attributes {stable_mosaic.version = 14 : i64} {
  func.func @_mm_body(%arg0: i32, %arg1: memref<64x8x8x128xf32, #tpu.memory_space<vmem>>, %arg2: memref<1000x1024xbf16, #tpu.memory_space<vmem>>, %arg3: memref<512x1024xf32, #tpu.memory_space<vmem>>) attributes {dimension_semantics = [#tpu.dimension_semantics<arbitrary>], iteration_bounds = array<i64: 2>, scalar_prefetch = 0 : i64, scratch_operands = 0 : i64, tpu.core_type = #tpu.core_type<tc>, window_params = [{transform_indices = @transform_0, window_bounds = array<i64: 64, 8, 8, 128>}, {pipeline_mode = #tpu.pipeline_mode<synchronous>, transform_indices = @transform_1, window_bounds = array<i64: 1000, 1024>}, {transform_indices = @transform_2, window_bounds = array<i64: 512, 1024>}]} {
    %get3A = arith.constant 0 : index
    %get3A_0 = arith.constant 0 : index
    %get3A_1 = arith.constant 0 : index
    %get3A_2 = arith.constant 0 : index
    %get3A_3 = vector.load %arg1[%get3A, %get3A_0, %get3A_1, %get3A_2] : memref<64x8x8x128xf32, #tpu.memory_space<vmem>>, vector<64x8x8x128xf32>
    %reshape3A = vector.shape_cast %get3A_3 : vector<64x8x8x128xf32> to vector<512x1024xf32>
    %slice3A = vector.extract_strided_slice %reshape3A {offsets = [0, 0], sizes = [512, 1000], strides = [1, 1]} : vector<512x1024xf32> to vector<512x1000xf32>
    %convert_element_type3A = arith.truncf %slice3A : vector<512x1000xf32> to vector<512x1000xbf16>
    %get3A_4 = arith.constant 0 : index
    %get3A_5 = arith.constant 0 : index
    %get3A_6 = vector.load %arg2[%get3A_4, %get3A_5] : memref<1000x1024xbf16, #tpu.memory_space<vmem>>, vector<1000x1024xbf16>
    %dot_general3A = arith.constant dense<0.000000e+00> : vector<512x1024xf32>
    %dot_general3A_7 = tpu.matmul %convert_element_type3A, %get3A_6, %dot_general3A {dimension_numbers = #tpu.dot_dimension_numbers<[1], [0], [0], [1], [0, 0, 1, 1], [], []>, transpose_lhs_hint = false} : vector<512x1000xbf16>, vector<1000x1024xbf16>, vector<512x1024xf32> -> vector<512x1024xf32>
    %swap3A = arith.constant 0 : index
    %swap3A_8 = arith.constant 0 : index
    %swap3A_9 = vector.load %arg3[%swap3A, %swap3A_8] : memref<512x1024xf32, #tpu.memory_space<vmem>>, vector<512x1024xf32>
    tpu.vector_store %arg3[%swap3A, %swap3A_8], %dot_general3A_7 {strides = array<i32>} : memref<512x1024xf32, #tpu.memory_space<vmem>>, vector<512x1024xf32>,
    return
  }
  func.func @transform_0(%arg0: i32) -> (i32, i32, i32, i32) {
    %c0_i32 = arith.constant 0 : i32
    %c0_i32_0 = arith.constant 0 : i32
    %c0_i32_1 = arith.constant 0 : i32
    %c0_i32_2 = arith.constant 0 : i32
    return %arg0, %c0_i32, %c0_i32_0, %c0_i32_1 : i32, i32, i32, i32
  }
  func.func @transform_1(%arg0: i32) -> (i32, i32) {
    %c0_i32 = arith.constant 0 : i32
    %c0_i32_0 = arith.constant 0 : i32
    %c0_i32_1 = arith.constant 0 : i32
    return %c0_i32, %c0_i32_0 : i32, i32
  }
  func.func @transform_2(%arg0: i32) -> (i32, i32) {
    %c0_i32 = arith.constant 0 : i32
    %c0_i32_0 = arith.constant 0 : i32
    return %arg0, %c0_i32 : i32, i32
  }
}

</mosaic_0001>

<sc_bundles>
// kernel: kernel.4.cloned.1.call-start
scs
__scs_entry_jumppad:
0x0: {  	(pc) =	sbr.rel $0x88, $3  }
0x1: {  	(tag) =	ssettag $0x0;
	lr =	simm.s32 $0x1  }
0x2: {  	[smem:$0x3F9F] =	sst lr;
	_ =	strace $0xD0000000  }
0x3: {  	_ = 	snop  }
0x4: {  	_ = 	snop  }
0x5: {  	_ = 	snop  }
0x6: {  	_ = 	snop  }
0x7: {  	_ = 	snop  }
__scs_overlays_trampoline_lowered:
0x8: {  	[smem:$0x3FAE] =	sst s0  }
0x9: {  	[smem:$0x3FAF] =	sst s1  }
0xa: {  	[smem:$0x3FB0] =	sst s2  }
0xb: {  	[smem:$0x3FB1] =	sst s3  }
0xc: {  	[smem:$0x3FB2] =	sst s4  }
0xd: {  	[smem:$0x3FB3] =	sst s5  }
0xe: {  	[smem:$0x3FB4] =	sst s6  }
0xf: {  	[smem:$0x3FB5] =	sst s7  }
0x10: {  	[smem:$0x3FB6] =	sst s8  }
0x11: {  	[smem:$0x3FB7] =	sst s9;
	s0 =	simm.s32 @!p0 $0x0  }
0x12: {  	s1 =	sld [smem:$0x3F9D];
	s0 =	simm.s32 @p0 $0x1  }
0x13: {  	[smem:$0x3FB8] =	sst s0;
	s0 =	simm.s32 @!p1 $0x0  }
0x14: {  	s2 =	sld [smem:$0x3F9C];
	s0 =	simm.s32 @p1 $0x1  }
0x15: {  	[smem:$0x3FB9] =	sst s0;
	s0 =	simm.s32 @!p2 $0x0  }
0x16: {  	s3 =	sld [smem:$0x3FDB];
	s0 =	simm.s32 @p2 $0x1  }
0x17: {  	s4 =	simm.s32 $0x1BF5;
	[smem:$0x3FBB] =	sst s0  }
0x18: {  	s0 =	sld [smem:$0x3F9E];
	_ =	swait.ge [sflag:s4], $0x0  }
0x19: {  	s7 =	sld [smem:$0x3F9F]  }
0x1a: {  	s8 =	sadd.s32 $0xFFFFE003, lr  }
0x1b: {  	s9 =	sadd.s32 $0xFFFFFEF7, lr;
	s5 =	simm.s32 $0xFFFFFFFF;
	p2 =	slt.u32 s8, $0xFFFFF086  }
0x1c: {  	p1 =	slt.u32 s9, $0xF7A;
	s5 =	simm.s32 @!p2 $0x0  }
0x1d: {  	s5 =	simm.s32 @p1 $0x1;
	p0 =	seq.s32 s7, s2  }
0x1e: {  	s7 =	smul.u32 @!p0 $0xF7A, s2;
	p2 =	seq.s32 @!p0 s5, $0x0  }
0x1f: {  	s9 =	smul.u32 $0xF7A, s1;
	s8 =	simm.s32 @!p0 $0x1BF5;
	p2 =	por !p2, p0  }
0x20: {  	[sflag:s8] =	ssyncset.s32 @!p0 $0xFFFFF086;
	s6 =	sadd.s32 @!p0 s3, s7;
	s7 =	simm.s32 @!p0 $0x108  }
0x21: {  	s3 =	sadd.s32 s3, s9;
	s6 =	sadd.s32 @!p0 $0x88, s6;
	s7 =	simm.s32 @p2 $0x1082  }
0x22: {  	[simem:s7], [sflag:s8] =	dma.local @!p0 [hbm:s6], $0xF7A  }
0x23: {  	s9 =	sor.u32 $0xD0000000, s2;
	s6 =	simm.s32 $0x108;
	_ =	swait.ge @!p0 [sflag:s8], $0x0  }
0x24: {  	s3 =	sadd.s32 $0x88, s3;
	s6 =	simm.s32 @!p1 $0x1082;
	[sflag:s4] =	ssyncset.s32 $0xFFFFF086  }
0x25: {  	[simem:s6], [sflag:s4] =	dma.local [hbm:s3], $0xF7A  }
0x26: {  	[smem:$0x3F9F] =	sst s1;
	(tag) =	ssettag s2;
	_ =	strace s9  }
0x27: {  	s1 =	sld [smem:$0x3FAF]  }
0x28: {  	s2 =	sld [smem:$0x3FB0]  }
0x29: {  	s4 =	sld [smem:$0x3FB2]  }
0x2a: {  	p0 =	seq.s32 s5, $0x0;
	s5 =	sld [smem:$0x3FB3]  }
0x2b: {  	s6 =	sld [smem:$0x3FB4]  }
0x2c: {  	s7 =	sld [smem:$0x3FB5]  }
0x2d: {  	s3 =	simm.s32 $0x108;
	s8 =	sld [smem:$0x3FB6]  }
0x2e: {  	s3 =	simm.s32 @!p0 $0x1082;
	s9 =	sld [smem:$0x3FB7]  }
0x2f: {  	lr =	sadd.s32 s0, s3;
	s0 =	sld [smem:$0x3FAE]  }
0x30: {  	s3 =	sld [smem:$0x3FB1]  }
0x31: {  	[smem:$0x3FBA] =	sst s10  }
0x32: {  	s10 =	sld [smem:$0x3FB8];
	_ =	sdelay $0x3  }
0x33: {  	p0 =	seq.s32 s10, $0x1;
	s10 =	sld [smem:$0x3FBA];
	_ =	sdelay $0x3  }
0x34: {  	[smem:$0x3FBA] =	sst s10  }
0x35: {  	s10 =	sld [smem:$0x3FB9];
	_ =	sdelay $0x3  }
0x36: {  	p1 =	seq.s32 s10, $0x1;
	s10 =	sld [smem:$0x3FBA];
	_ =	sdelay $0x3  }
0x37: {  	[smem:$0x3FBA] =	sst s10  }
0x38: {  	s10 =	sld [smem:$0x3FBB]  }
0x39: {  	_ = 	snop;
	(pc) =	sbr.ind lr, $3  }
0x3a: {  	_ = 	snop  }
0x3b: {  	_ = 	snop  }
0x3c: {  	p2 =	seq.s32 s10, $0x1;
	s10 =	sld [smem:$0x3FBA]  }
0x3d: {  	_ =	shalt  }
0x3e: {  	_ =	shalt  }
0x3f: {  	_ =	shalt  }
0x40: {  	_ =	shalt  }
0x41: {  	_ =	shalt  }
0x42: {  	_ =	shalt  }
0x43: {  	_ =	shalt  }
0x44: {  	_ =	shalt  }
0x45: {  	_ =	shalt  }
0x46: {  	_ =	shalt  }
0x47: {  	_ =	shalt  }
0x48: {  	_ =	shalt  }
0x49: {  	_ =	shalt  }
0x4a: {  	_ =	shalt  }
0x4b: {  	_ =	shalt  }
0x4c: {  	_ =	shalt  }
0x4d: {  	_ =	shalt  }
0x4e: {  	_ =	shalt  }
0x4f: {  	_ =	shalt  }
0x50: {  	_ =	shalt  }
0x51: {  	_ =	shalt  }
0x52: {  	_ =	shalt  }
0x53: {  	_ =	shalt  }
0x54: {  	_ =	shalt  }
0x55: {  	_ =	shalt  }
0x56: {  	_ =	shalt  }
0x57: {  	_ =	shalt  }
0x58: {  	_ =	shalt  }
0x59: {  	_ =	shalt  }
0x5a: {  	_ =	shalt  }
0x5b: {  	_ =	shalt  }
0x5c: {  	_ =	shalt  }
0x5d: {  	_ =	shalt  }
0x5e: {  	_ =	shalt  }
0x5f: {  	_ =	shalt  }
0x60: {  	_ =	shalt  }
0x61: {  	_ =	shalt  }
0x62: {  	_ =	shalt  }
0x63: {  	_ =	shalt  }
0x64: {  	_ =	shalt  }
0x65: {  	_ =	shalt  }
0x66: {  	_ =	shalt  }
0x67: {  	_ =	shalt  }
0x68: {  	_ =	shalt  }
0x69: {  	_ =	shalt  }
0x6a: {  	_ =	shalt  }
0x6b: {  	_ =	shalt  }
0x6c: {  	_ =	shalt  }
0x6d: {  	_ =	shalt  }
0x6e: {  	_ =	shalt  }
0x6f: {  	_ =	shalt  }
0x70: {  	_ =	shalt  }
0x71: {  	_ =	shalt  }
0x72: {  	_ =	shalt  }
0x73: {  	_ =	shalt  }
0x74: {  	_ =	shalt  }
0x75: {  	_ =	shalt  }
0x76: {  	_ =	shalt  }
0x77: {  	_ =	shalt  }
0x78: {  	_ =	shalt  }
0x79: {  	_ =	shalt  }
0x7a: {  	_ =	shalt  }
0x7b: {  	_ =	shalt  }
0x7c: {  	_ =	shalt  }
0x7d: {  	_ =	shalt  }
0x7e: {  	_ =	shalt  }
0x7f: {  	_ =	shalt  }
0x80: {  	_ =	shalt  }
0x81: {  	_ =	shalt  }
0x82: {  	_ =	shalt  }
0x83: {  	_ =	shalt  }
0x84: {  	_ =	shalt  }
0x85: {  	_ =	shalt  }
0x86: {  	_ =	shalt  }
0x87: {  	_ =	shalt  }
.Lfunc_end0:
.L_simem_size_0:
called_computation_lowered:
.L_overlay_start_0:
0x88: {  	s2 =	sld [smem:$0x3FD9]  }
0x89: {  	s3 =	sld [smem:$0x3FFE];
	_ =	sdelay $0x1  }
0x8a: {  	s1 =	srdreg.scid  }
0x8b: {  	s0 =	sand.u32 $0x1, s1  }
0x8c: {  	s17 =	sshll.u32 s0, $0xA;
	s2 =	sadd.s32 s3, s2  }
0x8d: {  	s2 =	sadd.s32 s2, s17  }
0x8e: {  	[smem:$0x3FC6] =	sst s2  }
0x8f: {  	_ = 	snop  }
0x90: {  	s2 =	sld [smem:$0x3FD0];
	(tm) =	ssettm $0x1  }
0x91: {  	s18 =	sld [smem:$0x3FFB];
	_ =	sdelay $0x3  }
0x92: {  	_ =	strace s18  }
0x93: {  	s3 =	sld [smem:$0x3FFC];
	_ =	sdelay $0x3  }
0x94: {  	_ =	strace s3  }
0x95: {  	s3 =	sld [smem:$0x3FFD];
	_ =	sdelay $0x3  }
0x96: {  	_ =	strace s3  }
0x97: {  	_ =	strace $0x8FFFFFFF  }
0x98: {  	s19 =	sld [smem:$0x3FDB];
	_ =	sdelay $0x1  }
0x99: {  	s4 =	simm.s32 $_scs_section_size  }
0x9a: {  	s5 =	simm.s32 $_size__tile_overlayer_lowered;
	s6 =	simm.s32 $_tile_overlayer_lowered  }
0x9b: {  	s22 =	simm.s32 $0x1BFF;
	s21 =	sshll.u32 s6, $0x1;
	s3 =	sadd.s32 s4, s19  }
0x9c: {  	s7 =	simm.s32 $0x0;
	s20 =	sshll.u32 s5, $0x1;
	s5 =	sadd.s32 s21, s3  }
0x9d: {  	[timem:s7], [sflag:s22] =	dma.local [hbm:s5], s20  }
0x9e: {  	_ =	swait.ge [sflag:s22], s20  }
0x9f: {  	s4 =	ssub.s32 $0x0, s20;
	[sflag:s22] =	ssyncset.done $0x0  }
0xa0: {  	[sflag:s22] =	ssyncadd.s32 s4;
	_ =	sdelay $0x1  }
0xa1: {  	s23 =	simm.s32 $0x1B8B  }
0xa2: {  	_ =	swait.ge [sflag:s23], $0x1  }
0xa3: {  	[sflag:s23] =	ssyncset.done $0x0  }
0xa4: {  	s25 =	simm.s32 $0x1B8E;
	s24 =	sld [smem:$0x3FFE];
	[sflag:s23] =	ssyncadd.s32 $0xFFFFFFFF  }
0xa5: {  	s26 =	simm.s32 $execute0_lowered;
	[smem:$0x3FD2] =	sst s25  }
0xa6: {  	s5 =	sshll.u32 s26, $0x1;
	_ =	strace $0x80000046;
	[dreg:$0x1] =	wrdreg $0xFFFFFFFF  }
0xa7: {  	s28 =	simm.s32 $_size_execute0_lowered;
	s3 =	sadd.s32 s3, s5;
	[dreg:$0x0] =	wrdreg $0x0  }
0xa8: {  	s5 =	sshll.u32 s28, $0x1;
	[dreg:$0x2] =	wrdreg s3  }
0xa9: {  	[dreg:$0x3] =	wrdreg s5  }
0xaa: {  	[dreg:$0x4] =	wrdreg $0xC0  }
0xab: {  	_ =	task [dreg:s7], $0x5FFFF  }
0xac: {  	[dreg:$0x1] =	wrdreg $0xFFFFFFFF  }
0xad: {  	[dreg:$0x0] =	wrdreg $0x60  }
0xae: {  	[dreg:$0x2] =	wrdreg s24  }
0xaf: {  	[dreg:$0x3] =	wrdreg s2  }
0xb0: {  	[dreg:$0x4] =	wrdreg $0x9  }
0xb1: {  	_ =	task.clear_ibuf [dreg:s7], $0x5FFFF;
	_ =	strace $0x90000046  }
0xb2: {  	s29 =	simm.s32 $0x9;
	_ =	strace $0x80000048  }
0xb3: {  	_ =	swait.ge [sflag:s29], $0x1  }
0xb4: {  	[sflag:s29] =	ssyncadd.s32 $0xFFFFFFFF  }
0xb5: {  	_ =	strace $0x90000048  }
0xb6: {  	_ =	sfence  }
0xb7: {  	s30 =	sld [smem:$0x0];
	_ =	sdelay $0x2  }
0xb8: {  	s31 =	sshll.u32 s1, $0xD;
	s1 =	sshrl.u32 s1, $0x2  }
0xb9: {  	s3 =	sand.u32 $0x4000, s31;
	s1 =	sadd.s32 s1, s30  }
0xba: {  	s0 =	sor.u32 s3, s0;
	s1 =	sshll.u32 s1, $0x11  }
0xbb: {  	s0 =	sor.u32 s1, s0  }
0xbc: {  	s0 =	sadd.s32 $0x8F2B, s0  }
0xbd: {  	[sflag:s0] =	ssyncadd.remote.s32 $0x1  }
0xbe: {  	_ =	sfence.sel $0xFFFF  }
0xbf: {  	[dreg:$0x0] =	wrdreg $0xFFFFFFFF;
	(pc) =	sbr.abs _section_cstart, $3  }
0xc0: {  	[dreg:$0x1] =	wrdreg $0xFFFFFFFF  }
0xc1: {  	_ =	task.clear_ibuf [dreg:s7], $0x2FFFF;
	_ =	strace $0x9FFFFFFF  }
0xc2: {  	(tm) =	ssettm $0x7FFFFFFF  }
0xc3: {  	_ =	shalt  }
tec
execute0_lowered:
.L_overlay_start_1:
0x0: {  	(tag) =	ssettag $0x1  }
0x1: {  	s3 =	rddreg [dreg:$0x0]  }
0x2: {  	s1 =	srdreg.scid;
	s0 =	stileid.u32  }
0x3: {  	s4 =	rddreg [dreg:$0x1];
	s2 =	simm.s32 $0x0;
	s9 =	simm.s32 $0x2  }
0x4: {  	s10 =	simm.s32 $0x640;
	s11 =	simm.s32 $0x2640;
	s12 =	simm.s32 $0x4640  }
0x5: {  	s13 =	simm.s32 $0x6640;
	s5 =	sand.u32 $0x1, s1;
	s6 =	sshll.u32 s0, $0x1  }
0x6: {  	s14 =	simm.s32 $0x1;
	s15 =	simm.s32 $0x0;
	s6 =	sor.u32 s5, s6  }
0x7: {  	[smem:$0x7FF] =	sst s2;
	s5 =	ssub.s32 $0x2, s5;
	s7 =	smul.u32 $0xC8, s6  }
0x8: {  	s1 =	rddreg [dreg:$0x2];
	_ =	strace $0x80000047;
	s8 =	sshrl.u32 s5, $0x1  }
0x9: {  	s6 =	sshll.u32 s6, $0xC;
	s8 =	ssub.s32 s5, s8;
	s7 =	sadd.s32 s7, s3  }
0xa: {  	s3 =	sadd.s32 s4, s6;
	s8 =	smax.u32 s8, $0x1;
	s4 =	sadd.s32 $0x800, s7  }
0xb: {  	v0 =	vimm.f32 $0.0e+00;
	v1 =	vimm.f32 $1.000000000e+00;
	vm0 =	vcmask $0x3F38;
	s5 =	sadd.s32 $0x400, s3;
	s6 =	sadd.s32 $0x800, s3;
	s7 =	sadd.s32 $0xC00, s3  }
.LBB2_1:
0xc: {  	[tilespmem:s2], [sflag:$0x2] =	stream.linear.gather [hbm4b:s4+s2], $0x640, $0x38;
	[tilespmem:$0x8640] =	vst v63  }
0xd: {  	s16 =	simm.s32 $0x0;
	s17 =	simm.s32 $0x400  }
.LBB2_2:
0xe: {  	p0 =	sne.s32 s17, $0x1FC00;
	[tilespmem:s16+$0x730] =	vst v0  }
0xf: {  	[tilespmem:s16+$0x640] =	vst v0  }
0x10: {  	[tilespmem:s16+$0x650] =	vst v0  }
0x11: {  	[tilespmem:s16+$0x660] =	vst v0  }
0x12: {  	[tilespmem:s16+$0x670] =	vst v0  }
0x13: {  	[tilespmem:s16+$0x680] =	vst v0  }
0x14: {  	[tilespmem:s16+$0x690] =	vst v0  }
0x15: {  	[tilespmem:s16+$0x6A0] =	vst v0  }
0x16: {  	[tilespmem:s16+$0x6B0] =	vst v0  }
0x17: {  	[tilespmem:s16+$0x6C0] =	vst v0  }
0x18: {  	[tilespmem:s16+$0x6D0] =	vst v0  }
.Ltmp0:
0x19: {  	[tilespmem:s16+$0x6E0] =	vst v0;
	(pc) =	sbr.rel @p0 .LBB2_2-.Ltmp0, $4  }
0x1a: {  	[tilespmem:s16+$0x6F0] =	vst v0  }
0x1b: {  	[tilespmem:s16+$0x700] =	vst v0  }
0x1c: {  	[tilespmem:s16+$0x710] =	vst v0  }
0x1d: {  	[tilespmem:s16+$0x720] =	vst v0;
	s16 =	sshra.s32 s17, $0x2;
	s17 =	sadd.s32 $0x400, s17  }
0x1e: {  	[tilespmem:s16+$0x730] =	vst v0  }
0x1f: {  	[tilespmem:s16+$0x640] =	vst v0  }
0x20: {  	[tilespmem:s16+$0x650] =	vst v0  }
0x21: {  	[tilespmem:s16+$0x660] =	vst v0  }
0x22: {  	[tilespmem:s16+$0x670] =	vst v0  }
0x23: {  	[tilespmem:s16+$0x680] =	vst v0  }
0x24: {  	[tilespmem:s16+$0x690] =	vst v0  }
0x25: {  	[tilespmem:s16+$0x6A0] =	vst v0  }
0x26: {  	[tilespmem:s16+$0x6B0] =	vst v0  }
0x27: {  	[tilespmem:s16+$0x6C0] =	vst v0  }
0x28: {  	[tilespmem:s16+$0x6D0] =	vst v0  }
0x29: {  	[tilespmem:s16+$0x6E0] =	vst v0  }
0x2a: {  	[tilespmem:s16+$0x6F0] =	vst v0  }
0x2b: {  	[tilespmem:s16+$0x700] =	vst v0  }
0x2c: {  	[tilespmem:s16+$0x710] =	vst v0  }
0x2d: {  	[tilespmem:s16+$0x720] =	vst v0  }
0x2e: {  	_ =	swait.ge [sflag:s9], $0x640  }
0x2f: {  	s16 =	simm.s32 $0x0;
	[sflag:s9] =	ssyncset.done $0x0  }
0x30: {  	s17 =	simm.s32 $0x22;
	s18 =	simm.s32 $0x0;
	[sflag:s9] =	ssyncadd.s32 $0xFFFFF9C0  }
.LBB2_4:
0x31: {  	v2 =	vld [tilespmem:s17+$0xFFFFFFDE];
	_ =	sdelay $0x4  }
0x32: {  	v2 =	vadd.s32 s18, v2;
	_ =	sdelay $0x4  }
0x33: {  	s19 =	sand.u32 $0x1FE, s16;
	[tilespmem:v2+s10+$0x0] =	vst.idx.add.f32.msk $0xffff, v1  }
0x34: {  	v2 =	vld [tilespmem:s19+$0x10];
	_ =	sdelay $0x4  }
0x35: {  	v2 =	vadd.s32 s18, v2;
	_ =	sdelay $0x4  }
0x36: {  	[tilespmem:v2+s10+$0x0] =	vst.idx.add.f32.msk $0xffff, v1  }
0x37: {  	v2 =	vld [tilespmem:s19+$0x20];
	_ =	sdelay $0x4  }
0x38: {  	v2 =	vadd.s32 s18, v2;
	_ =	sdelay $0x4  }
0x39: {  	[tilespmem:v2+s10+$0x0] =	vst.idx.add.f32.msk $0xffff, v1  }
0x3a: {  	v2 =	vld [tilespmem:s17+$0x0];
	_ =	sdelay $0x4  }
0x3b: {  	p0 =	sne.s32 s18, $0x1C00;
	v2 =	vadd.s32 s18, v2  }
.Ltmp1:
0x3c: {  	_ = 	snop;
	(pc) =	sbr.rel @p0 .LBB2_4-.Ltmp1, $2  }
0x3d: {  	_ =	sdelay $0x2  }
0x3e: {  	s16 =	sadd.s32 $0x32, s16;
	s17 =	sadd.s32 $0x32, s17;
	s18 =	sadd.s32 $0x400, s18;
	[tilespmem:v2+s10+$0x0] =	vst.idx.add.f32.msk vm0, v1  }
0x3f: {  	[hbm4b:s3+s2] =	stream.linear.scatter [tilespmem:s10], [sflag:$0x1], $0x2000, $0x38;
	[tilespmem:$0x8640] =	vst v63  }
0x40: {  	s16 =	simm.s32 $0x2000;
	s17 =	simm.s32 $0x190;
	s18 =	simm.s32 $0x1B2  }
.LBB2_6:
0x41: {  	v2 =	vld [tilespmem:s18+$0xFFFFFFDE];
	_ =	sdelay $0x4  }
0x42: {  	v2 =	vadd.s32 s16, v2;
	_ =	sdelay $0x4  }
0x43: {  	s19 =	sand.u32 $0x3FE, s17;
	[tilespmem:v2+s10+$0x0] =	vst.idx.add.f32.msk $0xffff, v1  }
0x44: {  	v2 =	vld [tilespmem:s19+$0x10];
	_ =	sdelay $0x4  }
0x45: {  	v2 =	vadd.s32 s16, v2;
	_ =	sdelay $0x4  }
0x46: {  	[tilespmem:v2+s10+$0x0] =	vst.idx.add.f32.msk $0xffff, v1  }
0x47: {  	v2 =	vld [tilespmem:s19+$0x20];
	_ =	sdelay $0x4  }
0x48: {  	v2 =	vadd.s32 s16, v2;
	_ =	sdelay $0x4  }
0x49: {  	[tilespmem:v2+s10+$0x0] =	vst.idx.add.f32.msk $0xffff, v1  }
0x4a: {  	v2 =	vld [tilespmem:s18+$0x0];
	_ =	sdelay $0x4  }
0x4b: {  	p0 =	sne.s32 s16, $0x3C00;
	v2 =	vadd.s32 s16, v2  }
.Ltmp2:
0x4c: {  	_ = 	snop;
	(pc) =	sbr.rel @p0 .LBB2_6-.Ltmp2, $2  }
0x4d: {  	_ =	sdelay $0x2  }
0x4e: {  	s17 =	sadd.s32 $0x32, s17;
	s18 =	sadd.s32 $0x32, s18;
	s16 =	sadd.s32 $0x400, s16;
	[tilespmem:v2+s10+$0x0] =	vst.idx.add.f32.msk vm0, v1  }
0x4f: {  	[hbm4b:s5+s2] =	stream.linear.scatter [tilespmem:s11], [sflag:$0x1], $0x2000, $0x38;
	[tilespmem:$0x8640] =	vst v63  }
0x50: {  	s16 =	simm.s32 $0x4000;
	s17 =	simm.s32 $0x320;
	s18 =	simm.s32 $0x342  }
.LBB2_8:
0x51: {  	v2 =	vld [tilespmem:s18+$0xFFFFFFDE];
	_ =	sdelay $0x4  }
0x52: {  	v2 =	vadd.s32 s16, v2;
	_ =	sdelay $0x4  }
0x53: {  	s19 =	sand.u32 $0x7FE, s17;
	[tilespmem:v2+s10+$0x0] =	vst.idx.add.f32.msk $0xffff, v1  }
0x54: {  	v2 =	vld [tilespmem:s19+$0x10];
	_ =	sdelay $0x4  }
0x55: {  	v2 =	vadd.s32 s16, v2;
	_ =	sdelay $0x4  }
0x56: {  	[tilespmem:v2+s10+$0x0] =	vst.idx.add.f32.msk $0xffff, v1  }
0x57: {  	v2 =	vld [tilespmem:s19+$0x20];
	_ =	sdelay $0x4  }
0x58: {  	v2 =	vadd.s32 s16, v2;
	_ =	sdelay $0x4  }
0x59: {  	[tilespmem:v2+s10+$0x0] =	vst.idx.add.f32.msk $0xffff, v1  }
0x5a: {  	v2 =	vld [tilespmem:s18+$0x0];
	_ =	sdelay $0x4  }
0x5b: {  	p0 =	sne.s32 s16, $0x5C00;
	v2 =	vadd.s32 s16, v2  }
.Ltmp3:
0x5c: {  	_ = 	snop;
	(pc) =	sbr.rel @p0 .LBB2_8-.Ltmp3, $2  }
0x5d: {  	_ =	sdelay $0x2  }
0x5e: {  	s17 =	sadd.s32 $0x32, s17;
	s18 =	sadd.s32 $0x32, s18;
	s16 =	sadd.s32 $0x400, s16;
	[tilespmem:v2+s10+$0x0] =	vst.idx.add.f32.msk vm0, v1  }
0x5f: {  	[hbm4b:s6+s2] =	stream.linear.scatter [tilespmem:s12], [sflag:$0x1], $0x2000, $0x38;
	[tilespmem:$0x8640] =	vst v63  }
0x60: {  	s16 =	simm.s32 $0x6000;
	s17 =	simm.s32 $0x4B0;
	s18 =	simm.s32 $0x4D2  }
.LBB2_10:
0x61: {  	v2 =	vld [tilespmem:s18+$0xFFFFFFDE];
	_ =	sdelay $0x4  }
0x62: {  	v2 =	vadd.s32 s16, v2;
	_ =	sdelay $0x4  }
0x63: {  	s19 =	sand.u32 $0x7FE, s17;
	[tilespmem:v2+s10+$0x0] =	vst.idx.add.f32.msk $0xffff, v1  }
0x64: {  	v2 =	vld [tilespmem:s19+$0x10];
	_ =	sdelay $0x4  }
0x65: {  	v2 =	vadd.s32 s16, v2;
	_ =	sdelay $0x4  }
0x66: {  	[tilespmem:v2+s10+$0x0] =	vst.idx.add.f32.msk $0xffff, v1  }
0x67: {  	v2 =	vld [tilespmem:s19+$0x20];
	_ =	sdelay $0x4  }
0x68: {  	v2 =	vadd.s32 s16, v2;
	_ =	sdelay $0x4  }
0x69: {  	[tilespmem:v2+s10+$0x0] =	vst.idx.add.f32.msk $0xffff, v1  }
0x6a: {  	v2 =	vld [tilespmem:s18+$0x0];
	_ =	sdelay $0x4  }
0x6b: {  	p0 =	sne.s32 s16, $0x7C00;
	v2 =	vadd.s32 s16, v2  }
.Ltmp4:
0x6c: {  	_ = 	snop;
	(pc) =	sbr.rel @p0 .LBB2_10-.Ltmp4, $2  }
0x6d: {  	_ =	sdelay $0x2  }
0x6e: {  	s17 =	sadd.s32 $0x32, s17;
	s18 =	sadd.s32 $0x32, s18;
	s16 =	sadd.s32 $0x400, s16;
	[tilespmem:v2+s10+$0x0] =	vst.idx.add.f32.msk vm0, v1  }
0x6f: {  	[hbm4b:s7+s2] =	stream.linear.scatter [tilespmem:s13], [sflag:$0x1], $0x2000, $0x38;
	[tilespmem:$0x8640] =	vst v63  }
0x70: {  	_ =	swait.ge [sflag:s14], $0x2000  }
0x71: {  	[sflag:s14] =	ssyncset.done $0x0  }
0x72: {  	[sflag:s14] =	ssyncadd.s32 $0xFFFFE000  }
0x73: {  	_ =	swait.ge [sflag:s14], $0x2000  }
0x74: {  	[sflag:s14] =	ssyncset.done $0x0  }
0x75: {  	s15 =	sadd.s32 $0x1, s15;
	[sflag:s14] =	ssyncadd.s32 $0xFFFFE000  }
0x76: {  	p0 =	sne.s32 s15, s8;
	_ =	swait.ge [sflag:s14], $0x2000  }
.Ltmp5:
0x77: {  	[sflag:s14] =	ssyncset.done $0x0;
	(pc) =	sbr.rel @p0 .LBB2_1-.Ltmp5, $4  }
0x78: {  	[sflag:s14] =	ssyncadd.s32 $0xFFFFE000  }
0x79: {  	_ =	swait.ge [sflag:s14], $0x2000  }
0x7a: {  	[sflag:s14] =	ssyncset.done $0x0  }
0x7b: {  	[sflag:s14] =	ssyncadd.s32 $0xFFFFE000  }
0x7c: {  	_ =	sfence.sel $0x180000  }
0x7d: {  	[bflag:$0x0] =	sbarrier.arrive $0xFFFF  }
0x7e: {  	p0 =	sne.s32 s0, $0x0;
	_ =	strace $0x90000047  }
0x7f: {  	s0 =	sadd.s32 @!p0 $0x100000, s1;
	[bflag:$0x2] =	sbarrier.arrive $0xFFFF  }
0x80: {  	[sflag:s0] =	ssyncadd.tile.s32 @!p0 $0x1;
	_ =	shalt  }
.Lfunc_end2:
_tile_overlayer_lowered:
.L_overlay_start_2:
0x81: {  	(tag) =	ssettag $0x2  }
0x82: {  	s0 =	rddreg [dreg:$0x0];
	s2 =	stileid.u32  }
0x83: {  	s1 =	rddreg [dreg:$0x1];
	p0 =	sne.s32 s2, $0x0  }
0x84: {  	s3 =	rddreg [dreg:$0x2];
	[bflag:$0x3] =	sbarrier.arrive $0xFFFF;
	s2 =	simm.s32 @!p0 $0x1C03  }
0x85: {  	[timem:s3], [sflag:s2] =	dma.local @!p0 [hbm:s0], s1  }
0x86: {  	s0 =	simm.s32 @!p0 $0x3  }
0x87: {  	_ =	swait.ge @!p0 [sflag:s0], s1  }
0x88: {  	s1 =	ssub.s32 @!p0 $0x0, s1;
	[sflag:s0] =	ssyncset.done @!p0 $0x0  }
0x89: {  	[sflag:s0] =	ssyncadd.s32 @!p0 s1  }
0x8a: {  	[bflag:$0x3] =	sbarrier.arrive $0xFFFF  }
0x8b: {  	_ =	shalt  }

</sc_bundles>
